<compile_context>
chip_gen: v7x
topology: tpu7x:2x2x1
jax: 0.10.2.dev20260603
libtpu: 0.0.44.dev20260713+nightly
codegen_flags: <defaults>
</compile_context>

<pallas_src>
import functools

import jax
import jax.numpy as jnp
from jax import lax
from jax.experimental import pallas as pl
from jax.experimental.pallas import tpu as pltpu
from jax.experimental.pallas import tpu_sc as plsc

MAXTIME = 5.0
NUM_STEPS = 100
DIM = 1024
N, B = 4096, 4
L = 16


def _sc_interp_body(idx_hbm, alpha_hbm, pe_hbm, out_hbm,
                    idx_v, alpha_v, rows_v, out_v, sem, sem2):
    cid = lax.axis_index("c")
    sid = lax.axis_index("s")

    @pl.when(jnp.logical_and(cid == 0, sid == 0))
    def _():
        c1 = pltpu.make_async_copy(idx_hbm, idx_v, sem)
        c2 = pltpu.make_async_copy(alpha_hbm, alpha_v, sem2)
        c1.start()
        c2.start()
        c1.wait()
        c2.wait()
        pltpu.async_copy(pe_hbm.at[idx_v], rows_v, sem).wait()
        for b in range(B):
            ab = alpha_v[b, :]

            @plsc.parallel_loop(0, DIM // L, unroll=8)
            def _(c):
                sl = pl.ds(c * L, L)
                f = rows_v[b, sl]
                out_v[b, sl] = f + ab * (rows_v[b + B, sl] - f)
        pltpu.sync_copy(out_v, out_hbm)


def _sc_interp(idx, alpha_rep, pe):
    mesh = plsc.VectorSubcoreMesh(core_axis_name="c", subcore_axis_name="s")
    k = functools.partial(
        pl.kernel,
        mesh=mesh,
        out_type=jax.ShapeDtypeStruct((B, DIM), jnp.float32),
        scratch_types=[
            pltpu.VMEM((L,), jnp.int32),
            pltpu.VMEM((B, L), jnp.float32),
            pltpu.VMEM((L, DIM), jnp.float32),
            pltpu.VMEM((B, DIM), jnp.float32),
            pltpu.SemaphoreType.DMA,
            pltpu.SemaphoreType.DMA,
        ],
    )(_sc_interp_body)
    return k(idx, alpha_rep, pe)


def _tc_add_body(x_ref, p_ref, o_ref):
    o_ref[...] = x_ref[...] + p_ref[...][None]


def _tc_add(xs, pe_interp, blk):
    return pl.pallas_call(
        _tc_add_body,
        grid=(N // blk,),
        in_specs=[
            pl.BlockSpec((blk, B, DIM), lambda i: (i, 0, 0)),
            pl.BlockSpec(memory_space=pltpu.VMEM),
        ],
        out_specs=pl.BlockSpec((blk, B, DIM), lambda i: (i, 0, 0)),
        out_shape=jax.ShapeDtypeStruct((N, B, DIM), jnp.float32),
    )(xs, pe_interp)


def kernel(xs, times, pe):
    t = jnp.clip(times, 0.0, MAXTIME) * ((NUM_STEPS - 1) / MAXTIME)
    t_floor = jnp.floor(t)
    fi = t_floor.astype(jnp.int32)
    ci = jnp.ceil(t).astype(jnp.int32)
    alpha = t - t_floor
    idx = jnp.concatenate([fi, ci, jnp.zeros((L - 2 * B,), jnp.int32)])
    alpha_rep = jnp.broadcast_to(alpha[:, None], (B, L))
    pe_interp = _sc_interp(idx, alpha_rep, pe)
    return _tc_add(xs, pe_interp, 512)

# --- scband reference (transcript-rebuilt; emitter-appended) ---
"""Pipeline reference for scband-continuous-pos-encoding-71012989272506 (READ-ONLY COPY).

The authoritative reference and input builder live on the scoring server;
editing this copy changes nothing except your own understanding.
"""

import math
import jax, jax.numpy as jnp
import numpy as np

MAXTIME = 5.0
NUM_STEPS = 100
DIM = 1024
N, B = 4096, 4

def _build_pe():
    position = np.linspace(0.0, MAXTIME, NUM_STEPS).astype(np.float32)[:, None]
    div_term = np.exp(np.arange(0, DIM, 2).astype(np.float32) * (-math.log(10000.0) / DIM))
    pe = np.zeros((NUM_STEPS, DIM), dtype=np.float32)
    pe[:, 0::2] = np.sin(position * div_term)
    pe[:, 1::2] = np.cos(position * div_term)
    return jnp.asarray(pe)

def setup_inputs(seed: int = 0) -> dict:
    key = jax.random.key(seed)
    k1, k2 = jax.random.split(key)
    xs = jax.random.normal(k1, (N, B, DIM), dtype=jnp.float32)
    times = jax.random.uniform(k2, (B,), dtype=jnp.float32)  # rand in [0,1), within [0, maxtime]
    pe = _build_pe()
    return {"xs": xs, "times": times, "pe": pe}

def reference(xs, times, pe):
    t = jnp.clip(times, 0.0, MAXTIME) * (NUM_STEPS - 1) / MAXTIME
    t_floor = jnp.floor(t)
    t_ceil = jnp.ceil(t)
    alpha = (t - t_floor)[:, None]
    pe_floor = jnp.take(pe, t_floor.astype(jnp.int32), axis=0)
    pe_ceil = jnp.take(pe, t_ceil.astype(jnp.int32), axis=0)
    pe_interp = (1.0 - alpha) * pe_floor + alpha * pe_ceil
    # dropout with drop=0.0 is identity (eval-mode reference)
    return xs + pe_interp[None, :, :]

if __name__ == "__main__":
    import jax
    _d = setup_inputs()
    print(jax.jit(kernel)(*tuple(_d.values())))

</pallas_src>

<mosaic_0001>
#map = affine_map<(d0, d1) -> (0)>
#map1 = affine_map<(d0, d1) -> (0, 0)>
module attributes {stable_mosaic.version = 14 : i64} {
  func.func @_sc_interp_body(%arg0: i32, %arg1: i32, %arg2: memref<16xi32, #tpu.memory_space<hbm>>, %arg3: memref<4x16xf32, #tpu.memory_space<hbm>>, %arg4: memref<100x1024xf32, #tpu.memory_space<hbm>>, %arg5: memref<4x1024xf32, #tpu.memory_space<hbm>>, %arg6: memref<16xi32, #tpu.memory_space<vmem>>, %arg7: memref<4x16xf32, #tpu.memory_space<vmem>>, %arg8: memref<16x1024xf32, #tpu.memory_space<vmem>>, %arg9: memref<4x1024xf32, #tpu.memory_space<vmem>>, %arg10: memref<!tpu.dma_semaphore, #tpu.memory_space<semaphore_mem>>, %arg11: memref<!tpu.dma_semaphore, #tpu.memory_space<semaphore_mem>>) attributes {dimension_semantics = [#tpu.dimension_semantics<core_parallel>, #tpu.dimension_semantics<subcore_parallel>], iteration_bounds = array<i64: 2, 16>, scalar_prefetch = 0 : i64, scratch_operands = 6 : i64, tpu.core_type = #tpu.core_type<sc_vector_subcore>, window_params = [{transform_indices = #map}, {transform_indices = #map1}, {transform_indices = #map1}, {transform_indices = #map1}]} {
    %eq3A = arith.constant 0 : i32
    %eq3A_0 = arith.cmpi eq, %arg0, %eq3A : i32
    %eq3A_1 = arith.constant 0 : i32
    %eq3A_2 = arith.cmpi eq, %arg1, %eq3A_1 : i32
    %and3A = arith.andi %eq3A_0, %eq3A_2 : i1
    %convert_element_type3A = arith.extui %and3A : i1 to i32
    %cond3A = arith.constant 0 : i32
    %cond3A_3 = arith.cmpi ne, %convert_element_type3A, %cond3A : i32
    scf.if %cond3A_3 {
      tpu.enqueue_dma source(%arg2 : memref<16xi32, #tpu.memory_space<hbm>>) target(%arg6 : memref<16xi32, #tpu.memory_space<vmem>>) target_semaphore(%arg10 : memref<!tpu.dma_semaphore, #tpu.memory_space<semaphore_mem>>)
      tpu.enqueue_dma source(%arg3 : memref<4x16xf32, #tpu.memory_space<hbm>>) target(%arg7 : memref<4x16xf32, #tpu.memory_space<vmem>>) target_semaphore(%arg11 : memref<!tpu.dma_semaphore, #tpu.memory_space<semaphore_mem>>)
      tpu.wait_dma2 semaphore(%arg10 : memref<!tpu.dma_semaphore, #tpu.memory_space<semaphore_mem>>) src(%arg2 : memref<16xi32, #tpu.memory_space<hbm>>) dst(%arg6 : memref<16xi32, #tpu.memory_space<vmem>>)
      tpu.wait_dma2 semaphore(%arg11 : memref<!tpu.dma_semaphore, #tpu.memory_space<semaphore_mem>>) src(%arg3 : memref<4x16xf32, #tpu.memory_space<hbm>>) dst(%arg7 : memref<4x16xf32, #tpu.memory_space<vmem>>)
      %dma_start3A = arith.constant 0 : i32
      %dma_start3A_4 = arith.constant 0 : i32
      %dma_start3A_5 = tpu.memref_slice %arg4[%dma_start3A, %dma_start3A_4] : memref<100x1024xf32, #tpu.memory_space<hbm>> -> memref<100x1024xf32, #tpu.memory_space<hbm>>
      tpu.enqueue_indirect_dma source(%dma_start3A_5 : memref<100x1024xf32, #tpu.memory_space<hbm>>) target(%arg8 : memref<16x1024xf32, #tpu.memory_space<vmem>>) offsets(%arg6 : memref<16xi32, #tpu.memory_space<vmem>>) semaphore(%arg10 : memref<!tpu.dma_semaphore, #tpu.memory_space<semaphore_mem>>)
      %dma_wait3A = arith.constant 0 : i32
      %dma_wait3A_6 = arith.constant 0 : i32
      %dma_wait3A_7 = tpu.memref_slice %arg4[%dma_wait3A, %dma_wait3A_6] : memref<100x1024xf32, #tpu.memory_space<hbm>> -> memref<100x1024xf32, #tpu.memory_space<hbm>>
      tpu.wait_indirect_dma semaphore(%arg10 : memref<!tpu.dma_semaphore, #tpu.memory_space<semaphore_mem>>) src(%dma_wait3A_7 : memref<100x1024xf32, #tpu.memory_space<hbm>>) dst(%arg8 : memref<16x1024xf32, #tpu.memory_space<vmem>>)
      %get3A = arith.constant 0 : i32
      %get3A_8 = arith.index_cast %get3A : i32 to index
      %get3A_9 = arith.constant 0 : index
      %get3A_10 = tpu.vector_load %arg7[%get3A_8, %get3A_9] {strides = array<i32>} : memref<4x16xf32, #tpu.memory_space<vmem>>, vector<1x16xf32>,
      %get3A_11 = vector.shape_cast %get3A_10 : vector<1x16xf32> to vector<16xf32>
      %parallel_loop3A = arith.constant 0 : i32
      %parallel_loop3A_12 = arith.constant 64 : i32
      %parallel_loop3A_13 = arith.constant 1 : i32
      scf.for %parallel_loop3A_38 = %parallel_loop3A to %parallel_loop3A_12 step %parallel_loop3A_13  : i32 {
        %parallel_loop3A_39 = arith.constant 16 : i32
        %parallel_loop3A_40 = arith.muli %parallel_loop3A_38, %parallel_loop3A_39 : i32
        %parallel_loop3A_41 = arith.constant 0 : i32
        %parallel_loop3A_42 = arith.index_cast %parallel_loop3A_41 : i32 to index
        %parallel_loop3A_43 = arith.index_cast %parallel_loop3A_40 : i32 to index
        %parallel_loop3A_44 = tpu.vector_load %arg8[%parallel_loop3A_42, %parallel_loop3A_43] {strides = array<i32>} : memref<16x1024xf32, #tpu.memory_space<vmem>>, vector<1x16xf32>,
        %parallel_loop3A_45 = vector.shape_cast %parallel_loop3A_44 : vector<1x16xf32> to vector<16xf32>
        %parallel_loop3A_46 = arith.constant 4 : i32
        %parallel_loop3A_47 = arith.index_cast %parallel_loop3A_46 : i32 to index
        %parallel_loop3A_48 = arith.index_cast %parallel_loop3A_40 : i32 to index
        %parallel_loop3A_49 = tpu.vector_load %arg8[%parallel_loop3A_47, %parallel_loop3A_48] {strides = array<i32>} : memref<16x1024xf32, #tpu.memory_space<vmem>>, vector<1x16xf32>,
        %parallel_loop3A_50 = vector.shape_cast %parallel_loop3A_49 : vector<1x16xf32> to vector<16xf32>
        %parallel_loop3A_51 = arith.subf %parallel_loop3A_50, %parallel_loop3A_45 : vector<16xf32>
        %parallel_loop3A_52 = arith.mulf %get3A_11, %parallel_loop3A_51 : vector<16xf32>
        %parallel_loop3A_53 = arith.addf %parallel_loop3A_45, %parallel_loop3A_52 : vector<16xf32>
        %parallel_loop3A_54 = arith.constant 0 : i32
        %parallel_loop3A_55 = arith.index_cast %parallel_loop3A_54 : i32 to index
        %parallel_loop3A_56 = arith.index_cast %parallel_loop3A_40 : i32 to index
        %parallel_loop3A_57 = tpu.vector_load %arg9[%parallel_loop3A_55, %parallel_loop3A_56] {strides = array<i32>} : memref<4x1024xf32, #tpu.memory_space<vmem>>, vector<1x16xf32>,
        %parallel_loop3A_58 = vector.shape_cast %parallel_loop3A_57 : vector<1x16xf32> to vector<16xf32>
        %parallel_loop3A_59 = vector.shape_cast %parallel_loop3A_53 : vector<16xf32> to vector<1x16xf32>
        tpu.vector_store %arg9[%parallel_loop3A_55, %parallel_loop3A_56], %parallel_loop3A_59 {strides = array<i32>} : memref<4x1024xf32, #tpu.memory_space<vmem>>, vector<1x16xf32>,
      } {sc.loop_unroll_factor = 8 : i64, sc.parallel_access}
      %get3A_14 = arith.constant 1 : i32
      %get3A_15 = arith.index_cast %get3A_14 : i32 to index
      %get3A_16 = arith.constant 0 : index
      %get3A_17 = tpu.vector_load %arg7[%get3A_15, %get3A_16] {strides = array<i32>} : memref<4x16xf32, #tpu.memory_space<vmem>>, vector<1x16xf32>,
      %get3A_18 = vector.shape_cast %get3A_17 : vector<1x16xf32> to vector<16xf32>
      %parallel_loop3A_19 = arith.constant 0 : i32
      %parallel_loop3A_20 = arith.constant 64 : i32
      %parallel_loop3A_21 = arith.constant 1 : i32
      scf.for %parallel_loop3A_38 = %parallel_loop3A_19 to %parallel_loop3A_20 step %parallel_loop3A_21  : i32 {
        %parallel_loop3A_39 = arith.constant 16 : i32
        %parallel_loop3A_40 = arith.muli %parallel_loop3A_38, %parallel_loop3A_39 : i32
        %parallel_loop3A_41 = arith.constant 1 : i32
        %parallel_loop3A_42 = arith.index_cast %parallel_loop3A_41 : i32 to index
        %parallel_loop3A_43 = arith.index_cast %parallel_loop3A_40 : i32 to index
        %parallel_loop3A_44 = tpu.vector_load %arg8[%parallel_loop3A_42, %parallel_loop3A_43] {strides = array<i32>} : memref<16x1024xf32, #tpu.memory_space<vmem>>, vector<1x16xf32>,
        %parallel_loop3A_45 = vector.shape_cast %parallel_loop3A_44 : vector<1x16xf32> to vector<16xf32>
        %parallel_loop3A_46 = arith.constant 5 : i32
        %parallel_loop3A_47 = arith.index_cast %parallel_loop3A_46 : i32 to index
        %parallel_loop3A_48 = arith.index_cast %parallel_loop3A_40 : i32 to index
        %parallel_loop3A_49 = tpu.vector_load %arg8[%parallel_loop3A_47, %parallel_loop3A_48] {strides = array<i32>} : memref<16x1024xf32, #tpu.memory_space<vmem>>, vector<1x16xf32>,
        %parallel_loop3A_50 = vector.shape_cast %parallel_loop3A_49 : vector<1x16xf32> to vector<16xf32>
        %parallel_loop3A_51 = arith.subf %parallel_loop3A_50, %parallel_loop3A_45 : vector<16xf32>
        %parallel_loop3A_52 = arith.mulf %get3A_18, %parallel_loop3A_51 : vector<16xf32>
        %parallel_loop3A_53 = arith.addf %parallel_loop3A_45, %parallel_loop3A_52 : vector<16xf32>
        %parallel_loop3A_54 = arith.constant 1 : i32
        %parallel_loop3A_55 = arith.index_cast %parallel_loop3A_54 : i32 to index
        %parallel_loop3A_56 = arith.index_cast %parallel_loop3A_40 : i32 to index
        %parallel_loop3A_57 = tpu.vector_load %arg9[%parallel_loop3A_55, %parallel_loop3A_56] {strides = array<i32>} : memref<4x1024xf32, #tpu.memory_space<vmem>>, vector<1x16xf32>,
        %parallel_loop3A_58 = vector.shape_cast %parallel_loop3A_57 : vector<1x16xf32> to vector<16xf32>
        %parallel_loop3A_59 = vector.shape_cast %parallel_loop3A_53 : vector<16xf32> to vector<1x16xf32>
        tpu.vector_store %arg9[%parallel_loop3A_55, %parallel_loop3A_56], %parallel_loop3A_59 {strides = array<i32>} : memref<4x1024xf32, #tpu.memory_space<vmem>>, vector<1x16xf32>,
      } {sc.loop_unroll_factor = 8 : i64, sc.parallel_access}
      %get3A_22 = arith.constant 2 : i32
      %get3A_23 = arith.index_cast %get3A_22 : i32 to index
      %get3A_24 = arith.constant 0 : index
      %get3A_25 = tpu.vector_load %arg7[%get3A_23, %get3A_24] {strides = array<i32>} : memref<4x16xf32, #tpu.memory_space<vmem>>, vector<1x16xf32>,
      %get3A_26 = vector.shape_cast %get3A_25 : vector<1x16xf32> to vector<16xf32>
      %parallel_loop3A_27 = arith.constant 0 : i32
      %parallel_loop3A_28 = arith.constant 64 : i32
      %parallel_loop3A_29 = arith.constant 1 : i32
      scf.for %parallel_loop3A_38 = %parallel_loop3A_27 to %parallel_loop3A_28 step %parallel_loop3A_29  : i32 {
        %parallel_loop3A_39 = arith.constant 16 : i32
        %parallel_loop3A_40 = arith.muli %parallel_loop3A_38, %parallel_loop3A_39 : i32
        %parallel_loop3A_41 = arith.constant 2 : i32
        %parallel_loop3A_42 = arith.index_cast %parallel_loop3A_41 : i32 to index
        %parallel_loop3A_43 = arith.index_cast %parallel_loop3A_40 : i32 to index
        %parallel_loop3A_44 = tpu.vector_load %arg8[%parallel_loop3A_42, %parallel_loop3A_43] {strides = array<i32>} : memref<16x1024xf32, #tpu.memory_space<vmem>>, vector<1x16xf32>,
        %parallel_loop3A_45 = vector.shape_cast %parallel_loop3A_44 : vector<1x16xf32> to vector<16xf32>
        %parallel_loop3A_46 = arith.constant 6 : i32
        %parallel_loop3A_47 = arith.index_cast %parallel_loop3A_46 : i32 to index
        %parallel_loop3A_48 = arith.index_cast %parallel_loop3A_40 : i32 to index
        %parallel_loop3A_49 = tpu.vector_load %arg8[%parallel_loop3A_47, %parallel_loop3A_48] {strides = array<i32>} : memref<16x1024xf32, #tpu.memory_space<vmem>>, vector<1x16xf32>,
        %parallel_loop3A_50 = vector.shape_cast %parallel_loop3A_49 : vector<1x16xf32> to vector<16xf32>
        %parallel_loop3A_51 = arith.subf %parallel_loop3A_50, %parallel_loop3A_45 : vector<16xf32>
        %parallel_loop3A_52 = arith.mulf %get3A_26, %parallel_loop3A_51 : vector<16xf32>
        %parallel_loop3A_53 = arith.addf %parallel_loop3A_45, %parallel_loop3A_52 : vector<16xf32>
        %parallel_loop3A_54 = arith.constant 2 : i32
        %parallel_loop3A_55 = arith.index_cast %parallel_loop3A_54 : i32 to index
        %parallel_loop3A_56 = arith.index_cast %parallel_loop3A_40 : i32 to index
        %parallel_loop3A_57 = tpu.vector_load %arg9[%parallel_loop3A_55, %parallel_loop3A_56] {strides = array<i32>} : memref<4x1024xf32, #tpu.memory_space<vmem>>, vector<1x16xf32>,
        %parallel_loop3A_58 = vector.shape_cast %parallel_loop3A_57 : vector<1x16xf32> to vector<16xf32>
        %parallel_loop3A_59 = vector.shape_cast %parallel_loop3A_53 : vector<16xf32> to vector<1x16xf32>
        tpu.vector_store %arg9[%parallel_loop3A_55, %parallel_loop3A_56], %parallel_loop3A_59 {strides = array<i32>} : memref<4x1024xf32, #tpu.memory_space<vmem>>, vector<1x16xf32>,
      } {sc.loop_unroll_factor = 8 : i64, sc.parallel_access}
      %get3A_30 = arith.constant 3 : i32
      %get3A_31 = arith.index_cast %get3A_30 : i32 to index
      %get3A_32 = arith.constant 0 : index
      %get3A_33 = tpu.vector_load %arg7[%get3A_31, %get3A_32] {strides = array<i32>} : memref<4x16xf32, #tpu.memory_space<vmem>>, vector<1x16xf32>,
      %get3A_34 = vector.shape_cast %get3A_33 : vector<1x16xf32> to vector<16xf32>
      %parallel_loop3A_35 = arith.constant 0 : i32
      %parallel_loop3A_36 = arith.constant 64 : i32
      %parallel_loop3A_37 = arith.constant 1 : i32
      scf.for %parallel_loop3A_38 = %parallel_loop3A_35 to %parallel_loop3A_36 step %parallel_loop3A_37  : i32 {
        %parallel_loop3A_39 = arith.constant 16 : i32
        %parallel_loop3A_40 = arith.muli %parallel_loop3A_38, %parallel_loop3A_39 : i32
        %parallel_loop3A_41 = arith.constant 3 : i32
        %parallel_loop3A_42 = arith.index_cast %parallel_loop3A_41 : i32 to index
        %parallel_loop3A_43 = arith.index_cast %parallel_loop3A_40 : i32 to index
        %parallel_loop3A_44 = tpu.vector_load %arg8[%parallel_loop3A_42, %parallel_loop3A_43] {strides = array<i32>} : memref<16x1024xf32, #tpu.memory_space<vmem>>, vector<1x16xf32>,
        %parallel_loop3A_45 = vector.shape_cast %parallel_loop3A_44 : vector<1x16xf32> to vector<16xf32>
        %parallel_loop3A_46 = arith.constant 7 : i32
        %parallel_loop3A_47 = arith.index_cast %parallel_loop3A_46 : i32 to index
        %parallel_loop3A_48 = arith.index_cast %parallel_loop3A_40 : i32 to index
        %parallel_loop3A_49 = tpu.vector_load %arg8[%parallel_loop3A_47, %parallel_loop3A_48] {strides = array<i32>} : memref<16x1024xf32, #tpu.memory_space<vmem>>, vector<1x16xf32>,
        %parallel_loop3A_50 = vector.shape_cast %parallel_loop3A_49 : vector<1x16xf32> to vector<16xf32>
        %parallel_loop3A_51 = arith.subf %parallel_loop3A_50, %parallel_loop3A_45 : vector<16xf32>
        %parallel_loop3A_52 = arith.mulf %get3A_34, %parallel_loop3A_51 : vector<16xf32>
        %parallel_loop3A_53 = arith.addf %parallel_loop3A_45, %parallel_loop3A_52 : vector<16xf32>
        %parallel_loop3A_54 = arith.constant 3 : i32
        %parallel_loop3A_55 = arith.index_cast %parallel_loop3A_54 : i32 to index
        %parallel_loop3A_56 = arith.index_cast %parallel_loop3A_40 : i32 to index
        %parallel_loop3A_57 = tpu.vector_load %arg9[%parallel_loop3A_55, %parallel_loop3A_56] {strides = array<i32>} : memref<4x1024xf32, #tpu.memory_space<vmem>>, vector<1x16xf32>,
        %parallel_loop3A_58 = vector.shape_cast %parallel_loop3A_57 : vector<1x16xf32> to vector<16xf32>
        %parallel_loop3A_59 = vector.shape_cast %parallel_loop3A_53 : vector<16xf32> to vector<1x16xf32>
        tpu.vector_store %arg9[%parallel_loop3A_55, %parallel_loop3A_56], %parallel_loop3A_59 {strides = array<i32>} : memref<4x1024xf32, #tpu.memory_space<vmem>>, vector<1x16xf32>,
      } {sc.loop_unroll_factor = 8 : i64, sc.parallel_access}
      "tpu.region"() ({
        %run_scoped3A = tpu.sem_alloc : memref<!tpu.dma_semaphore, #tpu.memory_space<semaphore_mem>>
        tpu.enqueue_dma source(%arg9 : memref<4x1024xf32, #tpu.memory_space<vmem>>) target(%arg5 : memref<4x1024xf32, #tpu.memory_space<hbm>>) target_semaphore(%run_scoped3A : memref<!tpu.dma_semaphore, #tpu.memory_space<semaphore_mem>>)
        tpu.wait_dma2 semaphore(%run_scoped3A : memref<!tpu.dma_semaphore, #tpu.memory_space<semaphore_mem>>) src(%arg9 : memref<4x1024xf32, #tpu.memory_space<vmem>>) dst(%arg5 : memref<4x1024xf32, #tpu.memory_space<hbm>>)
        tpu.yield
      }) : () -> ()
    } else {
    }
    return
  }
}

module attributes {stable_mosaic.version = 14 : i64} {
  func.func @_tc_add_body(%arg0: i32, %arg1: memref<512x4x1024xf32, #tpu.memory_space<vmem>>, %arg2: memref<4x1024xf32, #tpu.memory_space<vmem>>, %arg3: memref<512x4x1024xf32, #tpu.memory_space<vmem>>) attributes {dimension_semantics = [#tpu.dimension_semantics<arbitrary>], iteration_bounds = array<i64: 8>, scalar_prefetch = 0 : i64, scratch_operands = 0 : i64, tpu.core_type = #tpu.core_type<tc>, window_params = [{transform_indices = @transform_0, window_bounds = array<i64: 512, 4, 1024>}, {pipeline_mode = #tpu.pipeline_mode<synchronous>, transform_indices = @transform_1, window_bounds = array<i64: 4, 1024>}, {transform_indices = @transform_2, window_bounds = array<i64: 512, 4, 1024>}]} {
    %get3A = arith.constant 0 : index
    %get3A_0 = arith.constant 0 : index
    %get3A_1 = arith.constant 0 : index
    %get3A_2 = vector.load %arg1[%get3A, %get3A_0, %get3A_1] : memref<512x4x1024xf32, #tpu.memory_space<vmem>>, vector<512x4x1024xf32>
    %get3A_3 = arith.constant 0 : index
    %get3A_4 = arith.constant 0 : index
    %get3A_5 = vector.load %arg2[%get3A_3, %get3A_4] : memref<4x1024xf32, #tpu.memory_space<vmem>>, vector<4x1024xf32>
    %broadcast_in_dim3A = vector.shape_cast %get3A_5 : vector<4x1024xf32> to vector<1x4x1024xf32>
    %add3A = vector.broadcast %broadcast_in_dim3A : vector<1x4x1024xf32> to vector<512x4x1024xf32>
    %add3A_6 = arith.addf %get3A_2, %add3A : vector<512x4x1024xf32>
    %swap3A = arith.constant 0 : index
    %swap3A_7 = arith.constant 0 : index
    %swap3A_8 = arith.constant 0 : index
    %swap3A_9 = vector.load %arg3[%swap3A, %swap3A_7, %swap3A_8] : memref<512x4x1024xf32, #tpu.memory_space<vmem>>, vector<512x4x1024xf32>
    tpu.vector_store %arg3[%swap3A, %swap3A_7, %swap3A_8], %add3A_6 {strides = array<i32>} : memref<512x4x1024xf32, #tpu.memory_space<vmem>>, vector<512x4x1024xf32>,
    return
  }
  func.func @transform_0(%arg0: i32) -> (i32, i32, i32) {
    %c0_i32 = arith.constant 0 : i32
    %c0_i32_0 = arith.constant 0 : i32
    %c0_i32_1 = arith.constant 0 : i32
    return %arg0, %c0_i32, %c0_i32_0 : i32, i32, i32
  }
  func.func @transform_1(%arg0: i32) -> (i32, i32) {
    %c0_i32 = arith.constant 0 : i32
    %c0_i32_0 = arith.constant 0 : i32
    %c0_i32_1 = arith.constant 0 : i32
    return %c0_i32, %c0_i32_0 : i32, i32
  }
  func.func @transform_2(%arg0: i32) -> (i32, i32, i32) {
    %c0_i32 = arith.constant 0 : i32
    %c0_i32_0 = arith.constant 0 : i32
    %c0_i32_1 = arith.constant 0 : i32
    return %arg0, %c0_i32, %c0_i32_0 : i32, i32, i32
  }
}

</mosaic_0001>

<sc_bundles>
// kernel: kernel.4.cloned.1.call-start
scs
__scs_entry_jumppad:
0x0: {  	(pc) =	sbr.rel $0x88, $3  }
0x1: {  	(tag) =	ssettag $0x0;
	lr =	simm.s32 $0x1  }
0x2: {  	[smem:$0x3F9E] =	sst lr;
	_ =	strace $0xD0000000  }
0x3: {  	_ = 	snop  }
0x4: {  	_ = 	snop  }
0x5: {  	_ = 	snop  }
0x6: {  	_ = 	snop  }
0x7: {  	_ = 	snop  }
__scs_overlays_trampoline_lowered:
0x8: {  	[smem:$0x3FAD] =	sst s0  }
0x9: {  	[smem:$0x3FAE] =	sst s1  }
0xa: {  	[smem:$0x3FAF] =	sst s2  }
0xb: {  	[smem:$0x3FB0] =	sst s3  }
0xc: {  	[smem:$0x3FB1] =	sst s4  }
0xd: {  	[smem:$0x3FB2] =	sst s5  }
0xe: {  	[smem:$0x3FB3] =	sst s6  }
0xf: {  	[smem:$0x3FB4] =	sst s7  }
0x10: {  	[smem:$0x3FB5] =	sst s8  }
0x11: {  	[smem:$0x3FB6] =	sst s9;
	s0 =	simm.s32 @!p0 $0x0  }
0x12: {  	s1 =	sld [smem:$0x3F9C];
	s0 =	simm.s32 @p0 $0x1  }
0x13: {  	[smem:$0x3FB7] =	sst s0;
	s0 =	simm.s32 @!p1 $0x0  }
0x14: {  	s2 =	sld [smem:$0x3F9B];
	s0 =	simm.s32 @p1 $0x1  }
0x15: {  	[smem:$0x3FB8] =	sst s0;
	s0 =	simm.s32 @!p2 $0x0  }
0x16: {  	s3 =	sld [smem:$0x3FDB];
	s0 =	simm.s32 @p2 $0x1  }
0x17: {  	s4 =	simm.s32 $0x1BF5;
	[smem:$0x3FBA] =	sst s0  }
0x18: {  	s0 =	sld [smem:$0x3F9D];
	_ =	swait.ge [sflag:s4], $0x0  }
0x19: {  	s7 =	sld [smem:$0x3F9E]  }
0x1a: {  	s8 =	sadd.s32 $0xFFFFE003, lr  }
0x1b: {  	s9 =	sadd.s32 $0xFFFFFEF7, lr;
	s5 =	simm.s32 $0xFFFFFFFF;
	p2 =	slt.u32 s8, $0xFFFFF086  }
0x1c: {  	p1 =	slt.u32 s9, $0xF7A;
	s5 =	simm.s32 @!p2 $0x0  }
0x1d: {  	s5 =	simm.s32 @p1 $0x1;
	p0 =	seq.s32 s7, s2  }
0x1e: {  	s7 =	smul.u32 @!p0 $0xF7A, s2;
	p2 =	seq.s32 @!p0 s5, $0x0  }
0x1f: {  	s9 =	smul.u32 $0xF7A, s1;
	s8 =	simm.s32 @!p0 $0x1BF5;
	p2 =	por !p2, p0  }
0x20: {  	[sflag:s8] =	ssyncset.s32 @!p0 $0xFFFFF086;
	s6 =	sadd.s32 @!p0 s3, s7;
	s7 =	simm.s32 @!p0 $0x108  }
0x21: {  	s3 =	sadd.s32 s3, s9;
	s6 =	sadd.s32 @!p0 $0x88, s6;
	s7 =	simm.s32 @p2 $0x1082  }
0x22: {  	[simem:s7], [sflag:s8] =	dma.local @!p0 [hbm:s6], $0xF7A  }
0x23: {  	s9 =	sor.u32 $0xD0000000, s2;
	s6 =	simm.s32 $0x108;
	_ =	swait.ge @!p0 [sflag:s8], $0x0  }
0x24: {  	s3 =	sadd.s32 $0x88, s3;
	s6 =	simm.s32 @!p1 $0x1082;
	[sflag:s4] =	ssyncset.s32 $0xFFFFF086  }
0x25: {  	[simem:s6], [sflag:s4] =	dma.local [hbm:s3], $0xF7A  }
0x26: {  	[smem:$0x3F9E] =	sst s1;
	(tag) =	ssettag s2;
	_ =	strace s9  }
0x27: {  	s1 =	sld [smem:$0x3FAE]  }
0x28: {  	s2 =	sld [smem:$0x3FAF]  }
0x29: {  	s4 =	sld [smem:$0x3FB1]  }
0x2a: {  	p0 =	seq.s32 s5, $0x0;
	s5 =	sld [smem:$0x3FB2]  }
0x2b: {  	s6 =	sld [smem:$0x3FB3]  }
0x2c: {  	s7 =	sld [smem:$0x3FB4]  }
0x2d: {  	s3 =	simm.s32 $0x108;
	s8 =	sld [smem:$0x3FB5]  }
0x2e: {  	s3 =	simm.s32 @!p0 $0x1082;
	s9 =	sld [smem:$0x3FB6]  }
0x2f: {  	lr =	sadd.s32 s0, s3;
	s0 =	sld [smem:$0x3FAD]  }
0x30: {  	s3 =	sld [smem:$0x3FB0]  }
0x31: {  	[smem:$0x3FB9] =	sst s10  }
0x32: {  	s10 =	sld [smem:$0x3FB7];
	_ =	sdelay $0x3  }
0x33: {  	p0 =	seq.s32 s10, $0x1;
	s10 =	sld [smem:$0x3FB9];
	_ =	sdelay $0x3  }
0x34: {  	[smem:$0x3FB9] =	sst s10  }
0x35: {  	s10 =	sld [smem:$0x3FB8];
	_ =	sdelay $0x3  }
0x36: {  	p1 =	seq.s32 s10, $0x1;
	s10 =	sld [smem:$0x3FB9];
	_ =	sdelay $0x3  }
0x37: {  	[smem:$0x3FB9] =	sst s10  }
0x38: {  	s10 =	sld [smem:$0x3FBA]  }
0x39: {  	_ = 	snop;
	(pc) =	sbr.ind lr, $3  }
0x3a: {  	_ = 	snop  }
0x3b: {  	_ = 	snop  }
0x3c: {  	p2 =	seq.s32 s10, $0x1;
	s10 =	sld [smem:$0x3FB9]  }
0x3d: {  	_ =	shalt  }
0x3e: {  	_ =	shalt  }
0x3f: {  	_ =	shalt  }
0x40: {  	_ =	shalt  }
0x41: {  	_ =	shalt  }
0x42: {  	_ =	shalt  }
0x43: {  	_ =	shalt  }
0x44: {  	_ =	shalt  }
0x45: {  	_ =	shalt  }
0x46: {  	_ =	shalt  }
0x47: {  	_ =	shalt  }
0x48: {  	_ =	shalt  }
0x49: {  	_ =	shalt  }
0x4a: {  	_ =	shalt  }
0x4b: {  	_ =	shalt  }
0x4c: {  	_ =	shalt  }
0x4d: {  	_ =	shalt  }
0x4e: {  	_ =	shalt  }
0x4f: {  	_ =	shalt  }
0x50: {  	_ =	shalt  }
0x51: {  	_ =	shalt  }
0x52: {  	_ =	shalt  }
0x53: {  	_ =	shalt  }
0x54: {  	_ =	shalt  }
0x55: {  	_ =	shalt  }
0x56: {  	_ =	shalt  }
0x57: {  	_ =	shalt  }
0x58: {  	_ =	shalt  }
0x59: {  	_ =	shalt  }
0x5a: {  	_ =	shalt  }
0x5b: {  	_ =	shalt  }
0x5c: {  	_ =	shalt  }
0x5d: {  	_ =	shalt  }
0x5e: {  	_ =	shalt  }
0x5f: {  	_ =	shalt  }
0x60: {  	_ =	shalt  }
0x61: {  	_ =	shalt  }
0x62: {  	_ =	shalt  }
0x63: {  	_ =	shalt  }
0x64: {  	_ =	shalt  }
0x65: {  	_ =	shalt  }
0x66: {  	_ =	shalt  }
0x67: {  	_ =	shalt  }
0x68: {  	_ =	shalt  }
0x69: {  	_ =	shalt  }
0x6a: {  	_ =	shalt  }
0x6b: {  	_ =	shalt  }
0x6c: {  	_ =	shalt  }
0x6d: {  	_ =	shalt  }
0x6e: {  	_ =	shalt  }
0x6f: {  	_ =	shalt  }
0x70: {  	_ =	shalt  }
0x71: {  	_ =	shalt  }
0x72: {  	_ =	shalt  }
0x73: {  	_ =	shalt  }
0x74: {  	_ =	shalt  }
0x75: {  	_ =	shalt  }
0x76: {  	_ =	shalt  }
0x77: {  	_ =	shalt  }
0x78: {  	_ =	shalt  }
0x79: {  	_ =	shalt  }
0x7a: {  	_ =	shalt  }
0x7b: {  	_ =	shalt  }
0x7c: {  	_ =	shalt  }
0x7d: {  	_ =	shalt  }
0x7e: {  	_ =	shalt  }
0x7f: {  	_ =	shalt  }
0x80: {  	_ =	shalt  }
0x81: {  	_ =	shalt  }
0x82: {  	_ =	shalt  }
0x83: {  	_ =	shalt  }
0x84: {  	_ =	shalt  }
0x85: {  	_ =	shalt  }
0x86: {  	_ =	shalt  }
0x87: {  	_ =	shalt  }
.Lfunc_end0:
.L_simem_size_0:
called_computation_lowered:
.L_overlay_start_0:
0x88: {  	s2 =	sld [smem:$0x3FD9]  }
0x89: {  	s3 =	sld [smem:$0x3FFE];
	_ =	sdelay $0x1  }
0x8a: {  	s1 =	srdreg.scid  }
0x8b: {  	s0 =	sand.u32 $0x1, s1  }
0x8c: {  	s17 =	sshll.u32 s0, $0xA;
	s2 =	sadd.s32 s3, s2  }
0x8d: {  	s2 =	sadd.s32 s2, s17  }
0x8e: {  	[smem:$0x3FC5] =	sst s2  }
0x8f: {  	_ = 	snop  }
0x90: {  	s2 =	sld [smem:$0x3FC7]  }
0x91: {  	s18 =	sld [smem:$0x3FD0];
	(tm) =	ssettm $0x1  }
0x92: {  	s4 =	sld [smem:$0x3FFB];
	_ =	sdelay $0x3  }
0x93: {  	_ =	strace s4  }
0x94: {  	s4 =	sld [smem:$0x3FFC];
	_ =	sdelay $0x3  }
0x95: {  	_ =	strace s4  }
0x96: {  	s4 =	sld [smem:$0x3FFD];
	_ =	sdelay $0x3  }
0x97: {  	_ =	strace s4  }
0x98: {  	_ =	strace $0x8FFFFFFF  }
0x99: {  	s19 =	sld [smem:$0x3FDB];
	_ =	sdelay $0x1  }
0x9a: {  	s5 =	simm.s32 $_scs_section_size  }
0x9b: {  	s6 =	simm.s32 $_size__tile_overlayer_lowered;
	s7 =	simm.s32 $_tile_overlayer_lowered  }
0x9c: {  	s22 =	simm.s32 $0x1BFF;
	s21 =	sshll.u32 s7, $0x1;
	s4 =	sadd.s32 s5, s19  }
0x9d: {  	s8 =	simm.s32 $0x0;
	s20 =	sshll.u32 s6, $0x1;
	s6 =	sadd.s32 s21, s4  }
0x9e: {  	[timem:s8], [sflag:s22] =	dma.local [hbm:s6], s20  }
0x9f: {  	_ =	swait.ge [sflag:s22], s20  }
0xa0: {  	s5 =	ssub.s32 $0x0, s20;
	[sflag:s22] =	ssyncset.done $0x0  }
0xa1: {  	[sflag:s22] =	ssyncadd.s32 s5;
	_ =	sdelay $0x1  }
0xa2: {  	s23 =	simm.s32 $0x1B8B  }
0xa3: {  	_ =	swait.ge [sflag:s23], $0x1  }
0xa4: {  	[sflag:s23] =	ssyncset.done $0x0  }
0xa5: {  	s25 =	simm.s32 $0x1B8E;
	s24 =	sld [smem:$0x3FFE];
	[sflag:s23] =	ssyncadd.s32 $0xFFFFFFFF  }
0xa6: {  	s26 =	simm.s32 $execute0_lowered;
	[smem:$0x3FD2] =	sst s25  }
0xa7: {  	s6 =	sshll.u32 s26, $0x1;
	_ =	strace $0x80000046;
	[dreg:$0x1] =	wrdreg $0xFFFFFFFF  }
0xa8: {  	s28 =	simm.s32 $_size_execute0_lowered;
	s4 =	sadd.s32 s4, s6;
	[dreg:$0x0] =	wrdreg $0x0  }
0xa9: {  	s6 =	sshll.u32 s28, $0x1;
	[dreg:$0x2] =	wrdreg s4  }
0xaa: {  	[dreg:$0x3] =	wrdreg s6  }
0xab: {  	[dreg:$0x4] =	wrdreg $0xC0  }
0xac: {  	_ =	task [dreg:s8], $0x5FFFF  }
0xad: {  	[dreg:$0x1] =	wrdreg $0xFFFFFFFF  }
0xae: {  	[dreg:$0x0] =	wrdreg $0x60  }
0xaf: {  	[dreg:$0x2] =	wrdreg s24  }
0xb0: {  	[dreg:$0x3] =	wrdreg s2  }
0xb1: {  	[dreg:$0x4] =	wrdreg s18  }
0xb2: {  	[dreg:$0x5] =	wrdreg $0x9  }
0xb3: {  	_ =	task.clear_ibuf [dreg:s8], $0x6FFFF;
	_ =	strace $0x90000046  }
0xb4: {  	s29 =	simm.s32 $0x9;
	_ =	strace $0x80000048  }
0xb5: {  	_ =	swait.ge [sflag:s29], $0x1  }
0xb6: {  	[sflag:s29] =	ssyncadd.s32 $0xFFFFFFFF  }
0xb7: {  	_ =	strace $0x90000048  }
0xb8: {  	_ =	sfence  }
0xb9: {  	s30 =	sld [smem:$0x0];
	_ =	sdelay $0x2  }
0xba: {  	s31 =	sshll.u32 s1, $0xD;
	s1 =	sshrl.u32 s1, $0x2  }
0xbb: {  	s3 =	sand.u32 $0x4000, s31;
	s1 =	sadd.s32 s1, s30  }
0xbc: {  	s0 =	sor.u32 s3, s0;
	s1 =	sshll.u32 s1, $0x11  }
0xbd: {  	s0 =	sor.u32 s1, s0  }
0xbe: {  	s0 =	sadd.s32 $0x8F2B, s0  }
0xbf: {  	[sflag:s0] =	ssyncadd.remote.s32 $0x1  }
0xc0: {  	_ =	sfence.sel $0xFFFF  }
0xc1: {  	[dreg:$0x0] =	wrdreg $0xFFFFFFFF;
	(pc) =	sbr.abs _section_cstart, $3  }
0xc2: {  	[dreg:$0x1] =	wrdreg $0xFFFFFFFF  }
0xc3: {  	_ =	task.clear_ibuf [dreg:s8], $0x2FFFF;
	_ =	strace $0x9FFFFFFF  }
0xc4: {  	(tm) =	ssettm $0x7FFFFFFF  }
0xc5: {  	_ =	shalt  }
tec
execute0_lowered:
.L_overlay_start_1:
0x0: {  	(tag) =	ssettag $0x1  }
0x1: {  	s0 =	srdreg.scid  }
0x2: {  	s4 =	sand.u32 $0x1, s0;
	s0 =	stileid.u32  }
0x3: {  	s6 =	sor.u32 s0, s4  }
0x4: {  	p0 =	sne.s32 s6, $0x0  }
.Ltmp0:
0x5: {  	_ = 	snop;
	(pc) =	sbr.rel @p0 .LBB2_11-.Ltmp0, $4  }
0x6: {  	s5 =	rddreg [dreg:$0x0]  }
0x7: {  	s2 =	rddreg [dreg:$0x1]  }
0x8: {  	s3 =	rddreg [dreg:$0x2]  }
0x9: {  	s1 =	rddreg [dreg:$0x3];
	_ =	strace $0x80000047  }
0xa: {  	s6 =	ssub.s32 $0x2, s4;
	s4 =	sadd.s32 $0x800, s5  }
0xb: {  	s5 =	sadd.s32 $0xA00, s5;
	s8 =	sadd.s32 $0x200, s2;
	s9 =	sadd.s32 $0x300, s2  }
0xc: {  	s10 =	simm.s32 $0x0;
	s11 =	simm.s32 $0x80;
	s12 =	simm.s32 $0x1  }
0xd: {  	s13 =	simm.s32 $0x2;
	s14 =	simm.s32 $0x280;
	s15 =	simm.s32 $0xA80  }
0xe: {  	s16 =	simm.s32 $0x1280;
	s17 =	simm.s32 $0x1A80;
	s18 =	simm.s32 $0x2280  }
0xf: {  	v2 =	vlaneseq.u32;
	s19 =	simm.s32 $0x2A80;
	s20 =	simm.s32 $0x3280;
	s21 =	simm.s32 $0x3A80  }
0x10: {  	vm0 =	vmmov $0xffff;
	s22 =	simm.s32 $0x4280;
	s23 =	simm.s32 $0x3;
	s7 =	sshrl.u32 s6, $0x1;
	v1 =	vshrl.u32 v2, $0x3  }
0x11: {  	s24 =	simm.s32 $0x0;
	v0 =	vand.u32 $0x7, v2;
	v2 =	vor.u32 $0x8, v2;
	s6 =	ssub.s32 s6, s7;
	s7 =	sadd.s32 $0x100, s2;
	v1 =	vmul.u32 $0x8, v1  }
.LBB2_2:
0x12: {  	[tilespmem:s10], [sflag:$0x1] =	stream.linear.gather [hbm4b:s4+s10], $0x80, $0x38;
	[tilespmem:$0x5280] =	vst v63  }
0x13: {  	_ = 	snop  }
0x14: {  	[tilespmem:s11], [sflag:$0x2] =	stream.linear.gather [hbm4b:s5+s10], $0x200, $0x38;
	[tilespmem:$0x5280] =	vst v63  }
0x15: {  	_ =	swait.ge [sflag:s12], $0x80  }
0x16: {  	[sflag:s12] =	ssyncset.done $0x0  }
0x17: {  	[sflag:s12] =	ssyncadd.s32 $0xFFFFFF80  }
0x18: {  	_ =	swait.ge [sflag:s13], $0x200  }
0x19: {  	[sflag:s13] =	ssyncset.done $0x0  }
0x1a: {  	[sflag:s13] =	ssyncadd.s32 $0xFFFFFE00  }
0x1b: {  	v3 =	vld [tilespmem:$0x0];
	_ =	sdelay $0x4  }
0x1c: {  	v4 =	vshll.u32 v3, $0x3  }
0x1d: {  	v3 =	vand.u32 $0x7, v3;
	v4 =	vand.u32 $0xFFFFFFC0, v4  }
0x1e: {  	v3 =	vor.u32 v3, v4  }
0x1f: {  	v4 =	vperm.xlane v3, v0;
	_ =	sdelay $0x1  }
0x20: {  	v4 =	vadd.s32 v1, v4;
	_ =	sdelay $0x4  }
0x21: {  	[tilespmem:s14], [sflag:$0x1] =	stream.indirect_vreg.gather [hbm4b:s2+s10], $0x80, v4, vm0, $0xb8;
	[tilespmem:$0x5280] =	vst v63  }
0x22: {  	v3 =	vperm.xlane v3, v2  }
0x23: {  	[tilespmem:s15], [sflag:$0x1] =	stream.indirect_vreg.gather [hbm4b:s7+s10], $0x80, v4, vm0, $0xb8;
	[tilespmem:$0x5280] =	vst v63  }
0x24: {  	v3 =	vadd.s32 v1, v3  }
0x25: {  	[tilespmem:s16], [sflag:$0x1] =	stream.indirect_vreg.gather [hbm4b:s8+s10], $0x80, v4, vm0, $0xb8;
	[tilespmem:$0x5280] =	vst v63  }
0x26: {  	_ = 	snop  }
0x27: {  	[tilespmem:s17], [sflag:$0x1] =	stream.indirect_vreg.gather [hbm4b:s9+s10], $0x80, v4, vm0, $0xb8;
	[tilespmem:$0x5280] =	vst v63  }
0x28: {  	_ = 	snop  }
0x29: {  	[tilespmem:s18], [sflag:$0x1] =	stream.indirect_vreg.gather [hbm4b:s2+s10], $0x80, v3, vm0, $0xb8;
	[tilespmem:$0x5280] =	vst v63  }
0x2a: {  	_ = 	snop  }
0x2b: {  	[tilespmem:s19], [sflag:$0x1] =	stream.indirect_vreg.gather [hbm4b:s7+s10], $0x80, v3, vm0, $0xb8;
	[tilespmem:$0x5280] =	vst v63  }
0x2c: {  	_ = 	snop  }
0x2d: {  	[tilespmem:s20], [sflag:$0x1] =	stream.indirect_vreg.gather [hbm4b:s8+s10], $0x80, v3, vm0, $0xb8;
	[tilespmem:$0x5280] =	vst v63  }
0x2e: {  	_ = 	snop  }
0x2f: {  	[tilespmem:s21], [sflag:$0x1] =	stream.indirect_vreg.gather [hbm4b:s9+s10], $0x80, v3, vm0, $0xb8;
	[tilespmem:$0x5280] =	vst v63  }
0x30: {  	_ =	swait.ge [sflag:s12], $0x4000  }
0x31: {  	[sflag:s12] =	ssyncset.done $0x0  }
0x32: {  	[sflag:s12] =	ssyncadd.s32 $0xFFFFC000  }
0x33: {  	s28 =	simm.s32 $0x480;
	v3 =	vld [tilespmem:$0x80]  }
0x34: {  	v8 =	vld [tilespmem:s28+$0xFFFFFE70]  }
0x35: {  	v6 =	vld [tilespmem:s28+$0x70]  }
0x36: {  	v4 =	vld [tilespmem:s28+$0x0]  }
0x37: {  	v9 =	vld [tilespmem:s28+$0xFFFFFE10]  }
0x38: {  	v7 =	vld [tilespmem:s28+$0x10]  }
0x39: {  	v12 =	vld [tilespmem:s28+$0xFFFFFE20]  }
0x3a: {  	v10 =	vld [tilespmem:s28+$0x20]  }
0x3b: {  	v5 =	vld [tilespmem:s28+$0xFFFFFE30]  }
0x3c: {  	v13 =	vld [tilespmem:s28+$0x30];
	v11 =	vsub.f32 v6, v8  }
0x3d: {  	v14 =	vld [tilespmem:s28+$0x40];
	v7 =	vsub.f32 v7, v9  }
0x3e: {  	v6 =	vld [tilespmem:s28+$0xFFFFFE40];
	v11 =	vmul.f32 v11, v3  }
0x3f: {  	v16 =	vsub.f32 v10, v12;
	v10 =	vld [tilespmem:s28+$0x50];
	v15 =	vmul.f32 v7, v3  }
0x40: {  	v7 =	vld [tilespmem:s28+$0xFFFFFE50];
	v11 =	vadd.f32 v11, v8  }
0x41: {  	s25 =	simm.s32 $0x42C0;
	v13 =	vsub.f32 v13, v5;
	v16 =	vmul.f32 v16, v3;
	v15 =	vadd.f32 v15, v9;
	v8 =	vld [tilespmem:s28+$0xFFFFFE60]  }
0x42: {  	[tilespmem:s25+$0x30] =	vst v11;
	v11 =	vld [tilespmem:s28+$0x60]  }
0x43: {  	s26 =	simm.s32 $0x0;
	v13 =	vmul.f32 v13, v3;
	v9 =	vld [tilespmem:s28+$0xFFFFFE00];
	v12 =	vadd.f32 v16, v12;
	v14 =	vsub.f32 v14, v6;
	[tilespmem:s25+$0xFFFFFFD0] =	vst v15;
	s28 =	simm.s32 $0x880  }
.LBB2_3:
0x44: {  	v15 =	vld [tilespmem:s28+$0xFFFFFE70]  }
0x45: {  	s26 =	sadd.s32 $0x8, s26;
	v16 =	vld [tilespmem:s28+$0x70];
	[tilespmem:s25+$0xFFFFFFE0] =	vst v12;
	v5 =	vadd.f32 v13, v5;
	v12 =	vmul.f32 v14, v3;
	v10 =	vsub.f32 v10, v7  }
0x46: {  	p0 =	slt.u32 s26, $0x38;
	v13 =	vld [tilespmem:s28+$0x0]  }
0x47: {  	v14 =	vld [tilespmem:s28+$0xFFFFFE10];
	[tilespmem:s25+$0xFFFFFFF0] =	vst v5;
	v5 =	vadd.f32 v12, v6;
	v6 =	vmul.f32 v10, v3;
	v10 =	vsub.f32 v11, v8  }
0x48: {  	v11 =	vld [tilespmem:s28+$0x10];
	v18 =	vsub.f32 v4, v9  }
0x49: {  	v12 =	vld [tilespmem:s28+$0xFFFFFE20];
	[tilespmem:s25+$0x0] =	vst v5;
	v6 =	vadd.f32 v6, v7;
	v7 =	vmul.f32 v10, v3  }
0x4a: {  	v10 =	vld [tilespmem:s28+$0x20];
	v16 =	vsub.f32 v16, v15;
	v17 =	vmul.f32 v18, v3  }
0x4b: {  	v5 =	vld [tilespmem:s28+$0xFFFFFE30];
	[tilespmem:s25+$0x10] =	vst v6;
	v7 =	vadd.f32 v7, v8;
	v4 =	vmov v13  }
0x4c: {  	v8 =	vld [tilespmem:s28+$0x30];
	v13 =	vmul.f32 v16, v3;
	v9 =	vadd.f32 v17, v9  }
0x4d: {  	v11 =	vsub.f32 v11, v14;
	v6 =	vld [tilespmem:s28+$0xFFFFFE40];
	[tilespmem:s25+$0x20] =	vst v7  }
0x4e: {  	v16 =	vld [tilespmem:s28+$0x40];
	v13 =	vadd.f32 v13, v15;
	[tilespmem:s25+$0xFFFFFFC0] =	vst v9  }
.Ltmp1:
0x4f: {  	s25 =	sadd.s32 $0x200, s25;
	v9 =	vmul.f32 v11, v3;
	v11 =	vsub.f32 v10, v12;
	v7 =	vld [tilespmem:s28+$0xFFFFFE50];
	(pc) =	sbr.rel @p0 .LBB2_3-.Ltmp1, $4  }
0x50: {  	v10 =	vld [tilespmem:s28+$0x50];
	[tilespmem:s25+$0x30] =	vst v13  }
0x51: {  	v13 =	vadd.f32 v9, v14;
	v14 =	vmul.f32 v11, v3;
	v15 =	vsub.f32 v8, v5;
	v8 =	vld [tilespmem:s28+$0xFFFFFE60]  }
0x52: {  	v11 =	vld [tilespmem:s28+$0x60]  }
0x53: {  	v9 =	vld [tilespmem:s28+$0xFFFFFE00];
	[tilespmem:s25+$0xFFFFFFD0] =	vst v13;
	v12 =	vadd.f32 v14, v12;
	v13 =	vmul.f32 v15, v3;
	v14 =	vsub.f32 v16, v6;
	s28 =	sadd.s32 $0x400, s28  }
0x54: {  	_ =	sdelay $0x1  }
0x55: {  	v10 =	vsub.f32 v10, v7  }
0x56: {  	v14 =	vmul.f32 v14, v3;
	v11 =	vsub.f32 v11, v8  }
0x57: {  	v5 =	vadd.f32 v13, v5;
	v10 =	vmul.f32 v10, v3;
	v4 =	vsub.f32 v4, v9  }
0x58: {  	[tilespmem:s25+$0xFFFFFFE0] =	vst v12;
	v6 =	vadd.f32 v14, v6;
	v11 =	vmul.f32 v11, v3  }
0x59: {  	[tilespmem:s25+$0xFFFFFFF0] =	vst v5;
	v5 =	vadd.f32 v10, v7;
	v3 =	vmul.f32 v4, v3  }
0x5a: {  	[tilespmem:s25+$0x0] =	vst v6;
	v4 =	vadd.f32 v11, v8  }
0x5b: {  	[tilespmem:s25+$0x10] =	vst v5;
	v3 =	vadd.f32 v3, v9  }
0x5c: {  	[tilespmem:s25+$0x20] =	vst v4  }
0x5d: {  	[tilespmem:s25+$0xFFFFFFC0] =	vst v3  }
0x5e: {  	s28 =	simm.s32 $0x500;
	v3 =	vld [tilespmem:$0x100]  }
0x5f: {  	v8 =	vld [tilespmem:s28+$0xFFFFFE70]  }
0x60: {  	v6 =	vld [tilespmem:s28+$0x70]  }
0x61: {  	v4 =	vld [tilespmem:s28+$0x0]  }
0x62: {  	v9 =	vld [tilespmem:s28+$0xFFFFFE10]  }
0x63: {  	v7 =	vld [tilespmem:s28+$0x10]  }
0x64: {  	v12 =	vld [tilespmem:s28+$0xFFFFFE20]  }
0x65: {  	v10 =	vld [tilespmem:s28+$0x20]  }
0x66: {  	v5 =	vld [tilespmem:s28+$0xFFFFFE30]  }
0x67: {  	v13 =	vld [tilespmem:s28+$0x30];
	v11 =	vsub.f32 v6, v8  }
0x68: {  	v14 =	vld [tilespmem:s28+$0x40];
	v7 =	vsub.f32 v7, v9  }
0x69: {  	v6 =	vld [tilespmem:s28+$0xFFFFFE40];
	v11 =	vmul.f32 v11, v3  }
0x6a: {  	v16 =	vsub.f32 v10, v12;
	v10 =	vld [tilespmem:s28+$0x50];
	v15 =	vmul.f32 v7, v3  }
0x6b: {  	v7 =	vld [tilespmem:s28+$0xFFFFFE50];
	v11 =	vadd.f32 v11, v8  }
0x6c: {  	s25 =	simm.s32 $0x4370;
	v13 =	vsub.f32 v13, v5;
	v16 =	vmul.f32 v16, v3;
	v15 =	vadd.f32 v15, v9;
	v8 =	vld [tilespmem:s28+$0xFFFFFE60]  }
0x6d: {  	[tilespmem:s25+$0x0] =	vst v11;
	v11 =	vld [tilespmem:s28+$0x60]  }
0x6e: {  	s26 =	simm.s32 $0x0;
	v13 =	vmul.f32 v13, v3;
	v9 =	vld [tilespmem:s28+$0xFFFFFE00];
	v12 =	vadd.f32 v16, v12;
	v14 =	vsub.f32 v14, v6;
	[tilespmem:s25+$0xFFFFFFA0] =	vst v15;
	s28 =	simm.s32 $0x900  }
.LBB2_5:
0x6f: {  	v15 =	vld [tilespmem:s28+$0xFFFFFE70]  }
0x70: {  	s26 =	sadd.s32 $0x8, s26;
	v16 =	vld [tilespmem:s28+$0x70];
	[tilespmem:s25+$0xFFFFFFB0] =	vst v12;
	v5 =	vadd.f32 v13, v5;
	v12 =	vmul.f32 v14, v3;
	v10 =	vsub.f32 v10, v7  }
0x71: {  	p0 =	slt.u32 s26, $0x38;
	v13 =	vld [tilespmem:s28+$0x0]  }
0x72: {  	v14 =	vld [tilespmem:s28+$0xFFFFFE10];
	[tilespmem:s25+$0xFFFFFFC0] =	vst v5;
	v5 =	vadd.f32 v12, v6;
	v6 =	vmul.f32 v10, v3;
	v10 =	vsub.f32 v11, v8  }
0x73: {  	v11 =	vld [tilespmem:s28+$0x10];
	v18 =	vsub.f32 v4, v9  }
0x74: {  	v12 =	vld [tilespmem:s28+$0xFFFFFE20];
	[tilespmem:s25+$0xFFFFFFD0] =	vst v5;
	v6 =	vadd.f32 v6, v7;
	v7 =	vmul.f32 v10, v3  }
0x75: {  	v10 =	vld [tilespmem:s28+$0x20];
	v16 =	vsub.f32 v16, v15;
	v17 =	vmul.f32 v18, v3  }
0x76: {  	v5 =	vld [tilespmem:s28+$0xFFFFFE30];
	[tilespmem:s25+$0xFFFFFFE0] =	vst v6;
	v7 =	vadd.f32 v7, v8;
	v4 =	vmov v13  }
0x77: {  	v8 =	vld [tilespmem:s28+$0x30];
	v13 =	vmul.f32 v16, v3;
	v9 =	vadd.f32 v17, v9  }
0x78: {  	v11 =	vsub.f32 v11, v14;
	v6 =	vld [tilespmem:s28+$0xFFFFFE40];
	[tilespmem:s25+$0xFFFFFFF0] =	vst v7  }
0x79: {  	v16 =	vld [tilespmem:s28+$0x40];
	v13 =	vadd.f32 v13, v15;
	[tilespmem:s25+$0xFFFFFF90] =	vst v9  }
.Ltmp2:
0x7a: {  	s25 =	sadd.s32 $0x200, s25;
	v9 =	vmul.f32 v11, v3;
	v11 =	vsub.f32 v10, v12;
	v7 =	vld [tilespmem:s28+$0xFFFFFE50];
	(pc) =	sbr.rel @p0 .LBB2_5-.Ltmp2, $4  }
0x7b: {  	v10 =	vld [tilespmem:s28+$0x50];
	[tilespmem:s25+$0x0] =	vst v13  }
0x7c: {  	v13 =	vadd.f32 v9, v14;
	v14 =	vmul.f32 v11, v3;
	v15 =	vsub.f32 v8, v5;
	v8 =	vld [tilespmem:s28+$0xFFFFFE60]  }
0x7d: {  	v11 =	vld [tilespmem:s28+$0x60]  }
0x7e: {  	v9 =	vld [tilespmem:s28+$0xFFFFFE00];
	[tilespmem:s25+$0xFFFFFFA0] =	vst v13;
	v12 =	vadd.f32 v14, v12;
	v13 =	vmul.f32 v15, v3;
	v14 =	vsub.f32 v16, v6;
	s28 =	sadd.s32 $0x400, s28  }
0x7f: {  	_ =	sdelay $0x1  }
0x80: {  	v10 =	vsub.f32 v10, v7  }
0x81: {  	v14 =	vmul.f32 v14, v3;
	v11 =	vsub.f32 v11, v8  }
0x82: {  	v5 =	vadd.f32 v13, v5;
	v10 =	vmul.f32 v10, v3;
	v4 =	vsub.f32 v4, v9  }
0x83: {  	[tilespmem:s25+$0xFFFFFFB0] =	vst v12;
	v6 =	vadd.f32 v14, v6;
	v11 =	vmul.f32 v11, v3  }
0x84: {  	[tilespmem:s25+$0xFFFFFFC0] =	vst v5;
	v5 =	vadd.f32 v10, v7;
	v3 =	vmul.f32 v4, v3  }
0x85: {  	[tilespmem:s25+$0xFFFFFFD0] =	vst v6;
	v4 =	vadd.f32 v11, v8  }
0x86: {  	[tilespmem:s25+$0xFFFFFFE0] =	vst v5;
	v3 =	vadd.f32 v3, v9  }
0x87: {  	[tilespmem:s25+$0xFFFFFFF0] =	vst v4  }
0x88: {  	[tilespmem:s25+$0xFFFFFF90] =	vst v3  }
0x89: {  	s28 =	simm.s32 $0x580;
	v3 =	vld [tilespmem:$0x180]  }
0x8a: {  	v8 =	vld [tilespmem:s28+$0xFFFFFE70]  }
0x8b: {  	v6 =	vld [tilespmem:s28+$0x70]  }
0x8c: {  	v4 =	vld [tilespmem:s28+$0x0]  }
0x8d: {  	v9 =	vld [tilespmem:s28+$0xFFFFFE10]  }
0x8e: {  	v7 =	vld [tilespmem:s28+$0x10]  }
0x8f: {  	v12 =	vld [tilespmem:s28+$0xFFFFFE20]  }
0x90: {  	v10 =	vld [tilespmem:s28+$0x20]  }
0x91: {  	v5 =	vld [tilespmem:s28+$0xFFFFFE30]  }
0x92: {  	v13 =	vld [tilespmem:s28+$0x30];
	v11 =	vsub.f32 v6, v8  }
0x93: {  	v14 =	vld [tilespmem:s28+$0x40];
	v7 =	vsub.f32 v7, v9  }
0x94: {  	v6 =	vld [tilespmem:s28+$0xFFFFFE40];
	v11 =	vmul.f32 v11, v3  }
0x95: {  	v16 =	vsub.f32 v10, v12;
	v10 =	vld [tilespmem:s28+$0x50];
	v15 =	vmul.f32 v7, v3  }
0x96: {  	v7 =	vld [tilespmem:s28+$0xFFFFFE50];
	v11 =	vadd.f32 v11, v8  }
0x97: {  	s25 =	simm.s32 $0x43F0;
	v13 =	vsub.f32 v13, v5;
	v16 =	vmul.f32 v16, v3;
	v15 =	vadd.f32 v15, v9;
	v8 =	vld [tilespmem:s28+$0xFFFFFE60]  }
0x98: {  	[tilespmem:s25+$0x0] =	vst v11;
	v11 =	vld [tilespmem:s28+$0x60]  }
0x99: {  	s26 =	simm.s32 $0x0;
	v13 =	vmul.f32 v13, v3;
	v9 =	vld [tilespmem:s28+$0xFFFFFE00];
	v12 =	vadd.f32 v16, v12;
	v14 =	vsub.f32 v14, v6;
	[tilespmem:s25+$0xFFFFFFA0] =	vst v15;
	s28 =	simm.s32 $0x980  }
.LBB2_7:
0x9a: {  	v15 =	vld [tilespmem:s28+$0xFFFFFE70]  }
0x9b: {  	s26 =	sadd.s32 $0x8, s26;
	v16 =	vld [tilespmem:s28+$0x70];
	[tilespmem:s25+$0xFFFFFFB0] =	vst v12;
	v5 =	vadd.f32 v13, v5;
	v12 =	vmul.f32 v14, v3;
	v10 =	vsub.f32 v10, v7  }
0x9c: {  	p0 =	slt.u32 s26, $0x38;
	v13 =	vld [tilespmem:s28+$0x0]  }
0x9d: {  	v14 =	vld [tilespmem:s28+$0xFFFFFE10];
	[tilespmem:s25+$0xFFFFFFC0] =	vst v5;
	v5 =	vadd.f32 v12, v6;
	v6 =	vmul.f32 v10, v3;
	v10 =	vsub.f32 v11, v8  }
0x9e: {  	v11 =	vld [tilespmem:s28+$0x10];
	v18 =	vsub.f32 v4, v9  }
0x9f: {  	v12 =	vld [tilespmem:s28+$0xFFFFFE20];
	[tilespmem:s25+$0xFFFFFFD0] =	vst v5;
	v6 =	vadd.f32 v6, v7;
	v7 =	vmul.f32 v10, v3  }
0xa0: {  	v10 =	vld [tilespmem:s28+$0x20];
	v16 =	vsub.f32 v16, v15;
	v17 =	vmul.f32 v18, v3  }
0xa1: {  	v5 =	vld [tilespmem:s28+$0xFFFFFE30];
	[tilespmem:s25+$0xFFFFFFE0] =	vst v6;
	v7 =	vadd.f32 v7, v8;
	v4 =	vmov v13  }
0xa2: {  	v8 =	vld [tilespmem:s28+$0x30];
	v13 =	vmul.f32 v16, v3;
	v9 =	vadd.f32 v17, v9  }
0xa3: {  	v11 =	vsub.f32 v11, v14;
	v6 =	vld [tilespmem:s28+$0xFFFFFE40];
	[tilespmem:s25+$0xFFFFFFF0] =	vst v7  }
0xa4: {  	v16 =	vld [tilespmem:s28+$0x40];
	v13 =	vadd.f32 v13, v15;
	[tilespmem:s25+$0xFFFFFF90] =	vst v9  }
.Ltmp3:
0xa5: {  	s25 =	sadd.s32 $0x200, s25;
	v9 =	vmul.f32 v11, v3;
	v11 =	vsub.f32 v10, v12;
	v7 =	vld [tilespmem:s28+$0xFFFFFE50];
	(pc) =	sbr.rel @p0 .LBB2_7-.Ltmp3, $4  }
0xa6: {  	v10 =	vld [tilespmem:s28+$0x50];
	[tilespmem:s25+$0x0] =	vst v13  }
0xa7: {  	v13 =	vadd.f32 v9, v14;
	v14 =	vmul.f32 v11, v3;
	v15 =	vsub.f32 v8, v5;
	v8 =	vld [tilespmem:s28+$0xFFFFFE60]  }
0xa8: {  	v11 =	vld [tilespmem:s28+$0x60]  }
0xa9: {  	v9 =	vld [tilespmem:s28+$0xFFFFFE00];
	[tilespmem:s25+$0xFFFFFFA0] =	vst v13;
	v12 =	vadd.f32 v14, v12;
	v13 =	vmul.f32 v15, v3;
	v14 =	vsub.f32 v16, v6;
	s28 =	sadd.s32 $0x400, s28  }
0xaa: {  	_ =	sdelay $0x1  }
0xab: {  	v10 =	vsub.f32 v10, v7  }
0xac: {  	v14 =	vmul.f32 v14, v3;
	v11 =	vsub.f32 v11, v8  }
0xad: {  	v5 =	vadd.f32 v13, v5;
	v10 =	vmul.f32 v10, v3;
	v4 =	vsub.f32 v4, v9  }
0xae: {  	[tilespmem:s25+$0xFFFFFFB0] =	vst v12;
	v6 =	vadd.f32 v14, v6;
	v11 =	vmul.f32 v11, v3  }
0xaf: {  	[tilespmem:s25+$0xFFFFFFC0] =	vst v5;
	v5 =	vadd.f32 v10, v7;
	v3 =	vmul.f32 v4, v3  }
0xb0: {  	[tilespmem:s25+$0xFFFFFFD0] =	vst v6;
	v4 =	vadd.f32 v11, v8  }
0xb1: {  	[tilespmem:s25+$0xFFFFFFE0] =	vst v5;
	v3 =	vadd.f32 v3, v9  }
0xb2: {  	[tilespmem:s25+$0xFFFFFFF0] =	vst v4  }
0xb3: {  	[tilespmem:s25+$0xFFFFFF90] =	vst v3  }
0xb4: {  	s28 =	simm.s32 $0x600;
	v3 =	vld [tilespmem:$0x200]  }
0xb5: {  	v8 =	vld [tilespmem:s28+$0xFFFFFE70]  }
0xb6: {  	v6 =	vld [tilespmem:s28+$0x70]  }
0xb7: {  	v4 =	vld [tilespmem:s28+$0x0]  }
0xb8: {  	v9 =	vld [tilespmem:s28+$0xFFFFFE10]  }
0xb9: {  	v7 =	vld [tilespmem:s28+$0x10]  }
0xba: {  	v12 =	vld [tilespmem:s28+$0xFFFFFE20]  }
0xbb: {  	v10 =	vld [tilespmem:s28+$0x20]  }
0xbc: {  	v5 =	vld [tilespmem:s28+$0xFFFFFE30]  }
0xbd: {  	v13 =	vld [tilespmem:s28+$0x30];
	v11 =	vsub.f32 v6, v8  }
0xbe: {  	v14 =	vld [tilespmem:s28+$0x40];
	v7 =	vsub.f32 v7, v9  }
0xbf: {  	v6 =	vld [tilespmem:s28+$0xFFFFFE40];
	v11 =	vmul.f32 v11, v3  }
0xc0: {  	v16 =	vsub.f32 v10, v12;
	v10 =	vld [tilespmem:s28+$0x50];
	v15 =	vmul.f32 v7, v3  }
0xc1: {  	v7 =	vld [tilespmem:s28+$0xFFFFFE50];
	v11 =	vadd.f32 v11, v8  }
0xc2: {  	s25 =	simm.s32 $0x4470;
	v13 =	vsub.f32 v13, v5;
	v16 =	vmul.f32 v16, v3;
	v15 =	vadd.f32 v15, v9;
	v8 =	vld [tilespmem:s28+$0xFFFFFE60]  }
0xc3: {  	[tilespmem:s25+$0x0] =	vst v11;
	v11 =	vld [tilespmem:s28+$0x60]  }
0xc4: {  	s26 =	simm.s32 $0x0;
	v13 =	vmul.f32 v13, v3;
	v9 =	vld [tilespmem:s28+$0xFFFFFE00];
	v12 =	vadd.f32 v16, v12;
	v14 =	vsub.f32 v14, v6;
	[tilespmem:s25+$0xFFFFFFA0] =	vst v15;
	s28 =	simm.s32 $0xA00  }
.LBB2_9:
0xc5: {  	v15 =	vld [tilespmem:s28+$0xFFFFFE70]  }
0xc6: {  	s26 =	sadd.s32 $0x8, s26;
	v16 =	vld [tilespmem:s28+$0x70];
	[tilespmem:s25+$0xFFFFFFB0] =	vst v12;
	v5 =	vadd.f32 v13, v5;
	v12 =	vmul.f32 v14, v3;
	v10 =	vsub.f32 v10, v7  }
0xc7: {  	p0 =	slt.u32 s26, $0x38;
	v13 =	vld [tilespmem:s28+$0x0]  }
0xc8: {  	v14 =	vld [tilespmem:s28+$0xFFFFFE10];
	[tilespmem:s25+$0xFFFFFFC0] =	vst v5;
	v5 =	vadd.f32 v12, v6;
	v6 =	vmul.f32 v10, v3;
	v10 =	vsub.f32 v11, v8  }
0xc9: {  	v11 =	vld [tilespmem:s28+$0x10];
	v18 =	vsub.f32 v4, v9  }
0xca: {  	v12 =	vld [tilespmem:s28+$0xFFFFFE20];
	[tilespmem:s25+$0xFFFFFFD0] =	vst v5;
	v6 =	vadd.f32 v6, v7;
	v7 =	vmul.f32 v10, v3  }
0xcb: {  	v10 =	vld [tilespmem:s28+$0x20];
	v16 =	vsub.f32 v16, v15;
	v17 =	vmul.f32 v18, v3  }
0xcc: {  	v5 =	vld [tilespmem:s28+$0xFFFFFE30];
	[tilespmem:s25+$0xFFFFFFE0] =	vst v6;
	v7 =	vadd.f32 v7, v8;
	v4 =	vmov v13  }
0xcd: {  	v8 =	vld [tilespmem:s28+$0x30];
	v13 =	vmul.f32 v16, v3;
	v9 =	vadd.f32 v17, v9  }
0xce: {  	v11 =	vsub.f32 v11, v14;
	v6 =	vld [tilespmem:s28+$0xFFFFFE40];
	[tilespmem:s25+$0xFFFFFFF0] =	vst v7  }
0xcf: {  	v16 =	vld [tilespmem:s28+$0x40];
	v13 =	vadd.f32 v13, v15;
	[tilespmem:s25+$0xFFFFFF90] =	vst v9  }
.Ltmp4:
0xd0: {  	s25 =	sadd.s32 $0x200, s25;
	v9 =	vmul.f32 v11, v3;
	v11 =	vsub.f32 v10, v12;
	v7 =	vld [tilespmem:s28+$0xFFFFFE50];
	(pc) =	sbr.rel @p0 .LBB2_9-.Ltmp4, $4  }
0xd1: {  	v10 =	vld [tilespmem:s28+$0x50];
	[tilespmem:s25+$0x0] =	vst v13  }
0xd2: {  	v13 =	vadd.f32 v9, v14;
	v14 =	vmul.f32 v11, v3;
	v15 =	vsub.f32 v8, v5;
	v8 =	vld [tilespmem:s28+$0xFFFFFE60]  }
0xd3: {  	v11 =	vld [tilespmem:s28+$0x60]  }
0xd4: {  	v9 =	vld [tilespmem:s28+$0xFFFFFE00];
	[tilespmem:s25+$0xFFFFFFA0] =	vst v13;
	v12 =	vadd.f32 v14, v12;
	v13 =	vmul.f32 v15, v3;
	v14 =	vsub.f32 v16, v6;
	s28 =	sadd.s32 $0x400, s28  }
0xd5: {  	_ =	sdelay $0x1  }
0xd6: {  	v10 =	vsub.f32 v10, v7  }
0xd7: {  	v14 =	vmul.f32 v14, v3;
	v11 =	vsub.f32 v11, v8  }
0xd8: {  	v5 =	vadd.f32 v13, v5;
	v10 =	vmul.f32 v10, v3;
	v4 =	vsub.f32 v4, v9  }
0xd9: {  	[tilespmem:s25+$0xFFFFFFB0] =	vst v12;
	v6 =	vadd.f32 v14, v6;
	v11 =	vmul.f32 v11, v3  }
0xda: {  	[tilespmem:s25+$0xFFFFFFC0] =	vst v5;
	v62 =	vadd.f32 v10, v7;
	v3 =	vmul.f32 v4, v3  }
0xdb: {  	[tilespmem:s25+$0xFFFFFFD0] =	vst v6;
	v63 =	vadd.f32 v11, v8  }
0xdc: {  	s24 =	sadd.s32 $0x1, s24;
	[tilespmem:s25+$0xFFFFFFE0] =	vst v62;
	v3 =	vadd.f32 v3, v9  }
0xdd: {  	p0 =	sne.s32 s24, s6;
	[tilespmem:s25+$0xFFFFFFF0] =	vst v63  }
.Ltmp5:
0xde: {  	[tilespmem:s25+$0xFFFFFF90] =	vst v3;
	(pc) =	sbr.rel @p0 .LBB2_2-.Ltmp5, $4  }
0xdf: {  	[hbm4b:s3+s10] =	stream.linear.scatter [tilespmem:s22], [sflag:$0x3], $0x1000, $0x38;
	[tilespmem:$0x5280] =	vst v63  }
0xe0: {  	_ =	swait.ge [sflag:s23], $0x1000  }
0xe1: {  	[sflag:s23] =	ssyncset.done $0x0  }
0xe2: {  	[sflag:s23] =	ssyncadd.s32 $0xFFFFF000  }
.LBB2_11:
0xe3: {  	_ =	sfence.sel $0x180000  }
0xe4: {  	[bflag:$0x0] =	sbarrier.arrive $0xFFFF  }
0xe5: {  	p0 =	sne.s32 s0, $0x0;
	_ =	strace $0x90000047  }
0xe6: {  	s0 =	sadd.s32 @!p0 $0x100000, s1;
	[bflag:$0x2] =	sbarrier.arrive $0xFFFF  }
0xe7: {  	[sflag:s0] =	ssyncadd.tile.s32 @!p0 $0x1;
	_ =	shalt  }
.Lfunc_end2:
_tile_overlayer_lowered:
.L_overlay_start_2:
0xe8: {  	(tag) =	ssettag $0x2  }
0xe9: {  	s0 =	rddreg [dreg:$0x0];
	s2 =	stileid.u32  }
0xea: {  	s1 =	rddreg [dreg:$0x1];
	p0 =	sne.s32 s2, $0x0  }
0xeb: {  	s3 =	rddreg [dreg:$0x2];
	[bflag:$0x3] =	sbarrier.arrive $0xFFFF;
	s2 =	simm.s32 @!p0 $0x1C03  }
0xec: {  	[timem:s3], [sflag:s2] =	dma.local @!p0 [hbm:s0], s1  }
0xed: {  	s0 =	simm.s32 @!p0 $0x3  }
0xee: {  	_ =	swait.ge @!p0 [sflag:s0], s1  }
0xef: {  	s1 =	ssub.s32 @!p0 $0x0, s1;
	[sflag:s0] =	ssyncset.done @!p0 $0x0  }
0xf0: {  	[sflag:s0] =	ssyncadd.s32 @!p0 s1  }
0xf1: {  	[bflag:$0x3] =	sbarrier.arrive $0xFFFF  }
0xf2: {  	_ =	shalt  }

</sc_bundles>
